<compile_context>
chip_gen: v7x
topology: tpu7x:2x2x1
jax: 0.10.2.dev20260603
libtpu: 0.0.44.dev20260713+nightly
codegen_flags: <defaults>
</compile_context>

<pallas_src>
import functools
import math

import jax
import jax.numpy as jnp
from jax import lax
from jax.experimental import pallas as pl
from jax.experimental.pallas import tpu as pltpu
from jax.experimental.pallas import tpu_sc as plsc

_HALF_LOG_2PI = 0.5 * math.log(2.0 * math.pi)

_NW = 32
_LANES = 16


def _sc_stats(log_w):
    n = log_w.shape[0]
    per = n // _NW
    mesh = plsc.VectorSubcoreMesh(core_axis_name="c", subcore_axis_name="s")

    @functools.partial(
        pl.kernel,
        mesh=mesh,
        out_type=jax.ShapeDtypeStruct((_NW, _LANES), jnp.float32),
        scratch_types=[pltpu.VMEM((per,), jnp.float32),
                       pltpu.VMEM((_LANES,), jnp.float32)],
        compiler_params=pltpu.CompilerParams(needs_layout_passes=False),
    )
    def k(lw_hbm, out_hbm, buf, row):
        wid = lax.axis_index("s") * 2 + lax.axis_index("c")
        base = wid * per
        pltpu.sync_copy(lw_hbm.at[pl.ds(base, per)], buf)

        def max_step(j, mv):
            return jnp.maximum(mv, buf[pl.ds(j * _LANES, _LANES)])

        mv = lax.fori_loop(0, per // _LANES,  max_step,
                           jnp.full((_LANES,), -jnp.inf, jnp.float32))
        m_loc = jnp.max(mv)

        def sum_step(j, carry):
            s1v, s2v = carry
            e = jnp.exp(buf[pl.ds(j * _LANES, _LANES)] - m_loc)
            return s1v + e, s2v + e * e

        zeros = jnp.zeros((_LANES,), jnp.float32)
        s1v, s2v = lax.fori_loop(0, per // _LANES, sum_step, (zeros, zeros))
        s1 = jnp.sum(s1v)
        s2 = jnp.sum(s2v)
        idx = lax.broadcasted_iota(jnp.int32, (_LANES,), 0)
        vec = jnp.where(idx == 0, m_loc,
                        jnp.where(idx == 1, s1,
                                  jnp.where(idx == 2, s2, 0.0)))
        row[...] = vec
        pltpu.sync_copy(row, out_hbm.at[wid])

    return k(log_w)


def _combine_body(x_ref, out_ref):
    x = x_ref[...]
    ml = x[:, 0]
    m = jnp.max(ml)
    e = jnp.exp(ml - m)
    out_ref[0] = m
    out_ref[1] = jnp.sum(e * x[:, 1])
    out_ref[2] = jnp.sum(e * e * x[:, 2])


def _log_weight_stats(log_w):
    part = _sc_stats(log_w)
    return pl.pallas_call(
        _combine_body,
        out_shape=jax.ShapeDtypeStruct((3,), jnp.float32),
        out_specs=pl.BlockSpec(memory_space=pltpu.SMEM),
    )(part)


def _dense_body(d, p_ref, nz_ref, lw_ref, ab_ref, cb_ref, obs_ref,
                sc_ref, olw_ref, op_ref):
    pack = 128 // d
    b = p_ref.shape[0] // 128
    p = p_ref[...].reshape(b, 128)
    nz = nz_ref[...].reshape(b, 128)
    mean = jnp.dot(p, ab_ref[...].reshape(128, 128),
                   preferred_element_type=jnp.float32)
    nxt = mean + sc_ref[0] * nz
    om = jnp.dot(nxt, cb_ref[...].reshape(128, 128),
                 preferred_element_type=jnp.float32)
    z = (obs_ref[...].reshape(1, 128) - om) * sc_ref[1]
    lane = lax.broadcasted_iota(jnp.int32, (128, pack), 0)
    grp = lax.broadcasted_iota(jnp.int32, (128, pack), 1)
    sel = (lane // d == grp).astype(jnp.float32)
    emis = jnp.dot(z * z, sel, preferred_element_type=jnp.float32)
    olw_ref[...] = lw_ref[...] + (-0.5) * emis - sc_ref[2]
    op_ref[...] = nxt.reshape(b * 128)


def _dense(p_flat, nz_flat, lw2, A_big, C_big, obs_big, scalars,
           blk_particles, d):
    n = lw2.shape[0] * lw2.shape[1]
    pack = 128 // d
    total = p_flat.shape[0]
    blk = min(blk_particles, n)
    grid = (n // blk,)
    olw2, nxt = pl.pallas_call(
        functools.partial(_dense_body, d),
        grid=grid,
        in_specs=[
            pl.BlockSpec((blk * d,), lambda i: (i,)),
            pl.BlockSpec((blk * d,), lambda i: (i,)),
            pl.BlockSpec((blk // pack, pack), lambda i: (i, 0)),
            pl.BlockSpec((128 * 128,), lambda i: (0,)),
            pl.BlockSpec((128 * 128,), lambda i: (0,)),
            pl.BlockSpec((128,), lambda i: (0,)),
            pl.BlockSpec(memory_space=pltpu.SMEM),
        ],
        out_specs=[
            pl.BlockSpec((blk // pack, pack), lambda i: (i, 0)),
            pl.BlockSpec((blk * d,), lambda i: (i,)),
        ],
        out_shape=[
            jax.ShapeDtypeStruct((n // pack, pack), jnp.float32),
            jax.ShapeDtypeStruct((total,), jnp.float32),
        ],
    )(p_flat, nz_flat, lw2, A_big, C_big, obs_big, scalars)
    return olw2, nxt


def _cumsum_body(lw_ref, lse_ref, out_ref, carry):
    i = pl.program_id(0)

    @pl.when(i == 0)
    def _():
        carry[0] = 0.0

    w = jnp.exp(lw_ref[...] - lse_ref[0])
    b = w.shape[0]
    r = lax.broadcasted_iota(jnp.int32, (b, b), 0)
    c = lax.broadcasted_iota(jnp.int32, (b, b), 1)
    tri = (r >= c).astype(jnp.float32)
    cs = jnp.dot(tri, w, preferred_element_type=jnp.float32)
    c0 = carry[0]
    out_ref[...] = cs + c0
    carry[0] = c0 + jnp.sum(w)


def _cumsum(lw_col, lse):
    n = lw_col.shape[0]
    blk = 512
    return pl.pallas_call(
        _cumsum_body,
        grid=(n // blk,),
        in_specs=[
            pl.BlockSpec((blk, 1), lambda i: (i, 0)),
            pl.BlockSpec(memory_space=pltpu.SMEM),
        ],
        out_specs=pl.BlockSpec((blk, 1), lambda i: (i, 0)),
        out_shape=jax.ShapeDtypeStruct((n, 1), jnp.float32),
        scratch_shapes=[pltpu.SMEM((1,), jnp.float32)],
    )(lw_col, lse.reshape(1))


def _gather_body(n, u_ref, cw_ref, pv_ref, p_ref, out_ref):
    i = pl.program_id(0)
    j = pl.program_id(1)
    bo = out_ref.shape[0]
    bi = p_ref.shape[0]
    ii = i * bo + lax.broadcasted_iota(jnp.int32, (bo, 1), 0)
    pos = (u_ref[0] + ii.astype(jnp.float32)) / jnp.float32(n)
    cw = cw_ref[...]
    pv = pv_ref[...]
    jj = j * bi + lax.broadcasted_iota(jnp.int32, (1, bi), 1)
    sel = (pv < pos) & ((pos <= cw) | (jj == n - 1))
    contrib = jnp.dot(sel.astype(jnp.float32), p_ref[...],
                      preferred_element_type=jnp.float32)

    @pl.when(j == 0)
    def _():
        out_ref[...] = jnp.zeros_like(out_ref)

    out_ref[...] += contrib


def _systematic_gather(resample_u, cw_row, pv_row, particles):
    n, d = particles.shape
    bo, bi = 256, 512
    return pl.pallas_call(
        functools.partial(_gather_body, n),
        grid=(n // bo, n // bi),
        in_specs=[
            pl.BlockSpec(memory_space=pltpu.SMEM),
            pl.BlockSpec((1, bi), lambda i, j: (0, j)),
            pl.BlockSpec((1, bi), lambda i, j: (0, j)),
            pl.BlockSpec((bi, d), lambda i, j: (j, 0)),
        ],
        out_specs=pl.BlockSpec((bo, d), lambda i, j: (i, 0)),
        out_shape=jax.ShapeDtypeStruct((n, d), jnp.float32),
    )(resample_u, cw_row, pv_row, particles)


def kernel(log_w, particles, observation, A, C, log_sigma_x, log_sigma_y,
           resample_u, proposal_noise):
    n, d = particles.shape
    obs_dim = observation.shape[0]
    pack = 128 // d

    stats = _log_weight_stats(log_w)
    m, s1, s2 = stats[0], stats[1], stats[2]
    ess_e = (s1 * s1) / (s2 * n)

    lsy = log_sigma_y[0]
    scalars = jnp.stack([
        jnp.exp(log_sigma_x[0]),
        jnp.exp(-lsy),
        obs_dim * (lsy + _HALF_LOG_2PI),
    ])
    eye_p = jnp.eye(pack, dtype=jnp.float32)
    A_big = jnp.kron(eye_p, A.T).reshape(128 * 128)
    C_big = jnp.kron(eye_p, C.T).reshape(128 * 128)
    obs_big = jnp.tile(observation, pack)

    p_flat = particles.reshape(n * d)
    nz_flat = proposal_noise.reshape(n * d)
    lw2 = log_w.reshape(n // pack, pack)
    blk_particles = 32768

    hot_lw, hot_p = _dense(p_flat, nz_flat, lw2, A_big, C_big, obs_big,
                           scalars, blk_particles, d)

    def _hot(_):
        return hot_lw, hot_p

    def _cold(_):
        lse = m + jnp.log(s1)
        cumw = _cumsum(log_w.reshape(n, 1), lse)
        cw_row = cumw.reshape(1, n)
        pv_row = jnp.concatenate(
            [jnp.full((1, 1), -jnp.inf, jnp.float32), cw_row[:, :-1]], axis=1)
        gathered = _systematic_gather(resample_u, cw_row, pv_row, particles)
        return _dense(gathered.reshape(n * d), nz_flat, jnp.zeros_like(lw2),
                      A_big, C_big, obs_big, scalars, blk_particles, d)

    out_lw, out_p = lax.cond(ess_e < 0.5, _cold, _hot, None)
    return out_lw.reshape(n), out_p.reshape(n, d), ess_e

# --- scband reference (transcript-rebuilt; emitter-appended) ---
"""Pipeline reference for scband-smcsampler-67577015435932 (READ-ONLY COPY).

The authoritative reference and input builder live on the scoring server;
editing this copy changes nothing except your own understanding.
"""

import jax, jax.numpy as jnp
import numpy as np

N = 262144
D = 16
OBS = 16


def gaussian_logpdf(x, mean, log_sigma):
    # iid diagonal Gaussian log-density, summed over last axis
    z = (x - mean) * jnp.exp(-log_sigma)
    return jnp.sum(-0.5 * z * z - log_sigma - 0.5 * jnp.log(2.0 * jnp.pi), axis=-1)


def setup_inputs(seed: int = 0) -> dict:
    key = jax.random.key(seed)
    ks = jax.random.split(key, 8)
    log_w = 0.1 * jax.random.normal(ks[0], (N,), dtype=jnp.float32)
    particles = jax.random.normal(ks[1], (N, D), dtype=jnp.float32)
    observation = jax.random.normal(ks[2], (OBS,), dtype=jnp.float32)
    A = 0.95 * jnp.eye(D, dtype=jnp.float32) + 0.01 * jax.random.normal(ks[3], (D, D), dtype=jnp.float32)
    C = jax.random.normal(ks[4], (OBS, D), dtype=jnp.float32) / jnp.sqrt(D)
    log_sigma_x = jnp.zeros((1,), dtype=jnp.float32)
    log_sigma_y = jnp.zeros((1,), dtype=jnp.float32)
    resample_u = jax.random.uniform(ks[5], (1,), dtype=jnp.float32)
    proposal_noise = jax.random.normal(ks[6], (N, D), dtype=jnp.float32)
    return {
        'log_w': log_w,
        'particles': particles,
        'observation': observation,
        'A': A,
        'C': C,
        'log_sigma_x': log_sigma_x,
        'log_sigma_y': log_sigma_y,
        'resample_u': resample_u,
        'proposal_noise': proposal_noise,
    }


def reference(log_w, particles, observation, A, C, log_sigma_x, log_sigma_y, resample_u, proposal_noise):
    n = log_w.shape[0]
    # --- compute_esse_from_log_weights ---
    lw_norm = log_w - jax.scipy.special.logsumexp(log_w)
    ess = jnp.exp(-jax.scipy.special.logsumexp(2.0 * lw_norm))
    ess_e = ess / n
    # --- resampler: systematic resampling, triggered when normalized ESS < 0.5 ---
    w = jnp.exp(lw_norm)
    cumw = jnp.cumsum(w)
    positions = (resample_u[0] + jnp.arange(n, dtype=jnp.float32)) / n
    sys_idx = jnp.searchsorted(cumw, positions)
    sys_idx = jnp.clip(sys_idx, 0, n - 1)
    do_resample = ess_e < 0.5
    idx = jnp.where(do_resample, sys_idx, jnp.arange(n))
    particles_r = jnp.take(particles, idx, axis=0)
    log_w_r = jnp.where(do_resample, jnp.zeros_like(log_w), log_w)
    # --- proposal_sample (bootstrap: proposal == transition) ---
    sigma_x = jnp.exp(log_sigma_x[0])
    mean_next = particles_r @ A.T
    next_particles = mean_next + sigma_x * proposal_noise
    # --- vmapped log-densities ---
    trans_lp = gaussian_logpdf(next_particles, mean_next, log_sigma_x[0])
    prop_lp = gaussian_logpdf(next_particles, mean_next, log_sigma_x[0])  # bootstrap proposal
    obs_mean = next_particles @ C.T
    emis_lp = gaussian_logpdf(observation[None, :], obs_mean, log_sigma_y[0])
    # --- incremental importance weight ---
    inc_weight = trans_lp + emis_lp - prop_lp
    log_w_new = log_w_r + inc_weight
    return (log_w_new, next_particles, ess_e)

if __name__ == "__main__":
    import jax
    _d = setup_inputs()
    print(jax.jit(kernel)(*tuple(_d.values())))

</pallas_src>

<mosaic_0001>
#map = affine_map<(d0, d1) -> (0)>
#map1 = affine_map<(d0, d1) -> (0, 0)>
module attributes {stable_mosaic.version = 14 : i64} {
  func.func @k(%arg0: i32, %arg1: i32, %arg2: memref<262144xf32, #tpu.memory_space<hbm>>, %arg3: memref<32x16xf32, #tpu.memory_space<hbm>>, %arg4: memref<8192xf32, #tpu.memory_space<vmem>>, %arg5: memref<16xf32, #tpu.memory_space<vmem>>) attributes {dimension_semantics = [#tpu.dimension_semantics<core_parallel>, #tpu.dimension_semantics<subcore_parallel>], iteration_bounds = array<i64: 2, 16>, scalar_prefetch = 0 : i64, scratch_operands = 2 : i64, tpu.core_type = #tpu.core_type<sc_vector_subcore>, window_params = [{transform_indices = #map}, {transform_indices = #map1}]} {
    %mul3A = arith.constant 2 : i32
    %mul3A_0 = arith.muli %arg1, %mul3A : i32
    %add3A = arith.addi %mul3A_0, %arg0 : i32
    %mul3A_1 = arith.constant 8192 : i32
    %mul3A_2 = arith.muli %add3A, %mul3A_1 : i32
    "tpu.region"() ({
      %run_scoped3A = tpu.sem_alloc : memref<!tpu.dma_semaphore, #tpu.memory_space<semaphore_mem>>
      %dma_start3A = tpu.memref_slice %arg2[%mul3A_2] : memref<262144xf32, #tpu.memory_space<hbm>> -> memref<8192xf32, #tpu.memory_space<hbm>>
      %dma_start3A_42 = tpu.memref_slice %arg2[%mul3A_2] : memref<262144xf32, #tpu.memory_space<hbm>> -> memref<8192xf32, #tpu.memory_space<hbm>>
      tpu.enqueue_dma source(%dma_start3A_42 : memref<8192xf32, #tpu.memory_space<hbm>>) target(%arg4 : memref<8192xf32, #tpu.memory_space<vmem>>) target_semaphore(%run_scoped3A : memref<!tpu.dma_semaphore, #tpu.memory_space<semaphore_mem>>)
      %dma_wait3A = tpu.memref_slice %arg2[%mul3A_2] : memref<262144xf32, #tpu.memory_space<hbm>> -> memref<8192xf32, #tpu.memory_space<hbm>>
      %dma_wait3A_43 = tpu.memref_slice %arg2[%mul3A_2] : memref<262144xf32, #tpu.memory_space<hbm>> -> memref<8192xf32, #tpu.memory_space<hbm>>
      tpu.wait_dma2 semaphore(%run_scoped3A : memref<!tpu.dma_semaphore, #tpu.memory_space<semaphore_mem>>) src(%dma_wait3A_43 : memref<8192xf32, #tpu.memory_space<hbm>>) dst(%arg4 : memref<8192xf32, #tpu.memory_space<vmem>>)
      tpu.yield
    }) : () -> ()
    %broadcast_in_dim3A = arith.constant 0xFF800000 : f32
    %broadcast_in_dim3A_3 = vector.broadcast %broadcast_in_dim3A : f32 to vector<16xf32>
    %scan3A = arith.constant 0 : i32
    %scan3A_4 = arith.constant 512 : i32
    %scan3A_5 = arith.addi %scan3A, %scan3A_4 : i32
    %scan3A_6 = arith.constant 1 : i32
    %scan3A_7 = scf.for %scan3A_42 = %scan3A to %scan3A_5 step %scan3A_6 iter_args(%scan3A_43 = %broadcast_in_dim3A_3) -> (vector<16xf32>)  : i32 {
      %mul3A_44 = arith.constant 16 : i32
      %mul3A_45 = arith.muli %scan3A_42, %mul3A_44 : i32
      %get3A = arith.index_cast %mul3A_45 : i32 to index
      %get3A_46 = tpu.vector_load %arg4[%get3A] {strides = array<i32>} : memref<8192xf32, #tpu.memory_space<vmem>>, vector<16xf32>,
      %max3A = arith.maximumf %scan3A_43, %get3A_46 : vector<16xf32>
      scf.yield %max3A : vector<16xf32>
    }
    %scan3A_8 = arith.constant 512 : i32
    %reduce_max3A = arith.constant true
    %reduce_max3A_9 = vector.broadcast %reduce_max3A : i1 to vector<16xi1>
    %reduce_max3A_10 = tpu.scan <max>, %scan3A_7 masked %reduce_max3A_9 : vector<16xf32>, vector<16xi1> -> vector<16xf32>
    %reduce_max3A_11 = vector.extract %reduce_max3A_10[15] : f32 from vector<16xf32>
    %broadcast_in_dim3A_12 = arith.constant 0.000000e+00 : f32
    %broadcast_in_dim3A_13 = vector.broadcast %broadcast_in_dim3A_12 : f32 to vector<16xf32>
    %scan3A_14 = arith.constant 0 : i32
    %scan3A_15 = arith.constant 512 : i32
    %scan3A_16 = arith.addi %scan3A_14, %scan3A_15 : i32
    %scan3A_17 = arith.constant 1 : i32
    %scan3A_18:2 = scf.for %scan3A_42 = %scan3A_14 to %scan3A_16 step %scan3A_17 iter_args(%scan3A_43 = %broadcast_in_dim3A_13, %scan3A_44 = %broadcast_in_dim3A_13) -> (vector<16xf32>, vector<16xf32>)  : i32 {
      %mul3A_45 = arith.constant 16 : i32
      %mul3A_46 = arith.muli %scan3A_42, %mul3A_45 : i32
      %get3A = arith.index_cast %mul3A_46 : i32 to index
      %get3A_47 = tpu.vector_load %arg4[%get3A] {strides = array<i32>} : memref<8192xf32, #tpu.memory_space<vmem>>, vector<16xf32>,
      %sub3A = vector.broadcast %reduce_max3A_11 : f32 to vector<16xf32>
      %sub3A_48 = arith.subf %get3A_47, %sub3A : vector<16xf32>
      %exp3A = math.exp %sub3A_48 : vector<16xf32>
      %add3A_49 = arith.addf %scan3A_43, %exp3A : vector<16xf32>
      %mul3A_50 = arith.mulf %exp3A, %exp3A : vector<16xf32>
      %add3A_51 = arith.addf %scan3A_44, %mul3A_50 : vector<16xf32>
      scf.yield %add3A_49, %add3A_51 : vector<16xf32>, vector<16xf32>
    }
    %scan3A_19 = arith.constant 512 : i32
    %reduce_sum3A = arith.constant true
    %reduce_sum3A_20 = vector.broadcast %reduce_sum3A : i1 to vector<16xi1>
    %reduce_sum3A_21 = tpu.scan <sum>, %scan3A_18#0 masked %reduce_sum3A_20 : vector<16xf32>, vector<16xi1> -> vector<16xf32>
    %reduce_sum3A_22 = vector.extract %reduce_sum3A_21[15] : f32 from vector<16xf32>
    %reduce_sum3A_23 = arith.constant true
    %reduce_sum3A_24 = vector.broadcast %reduce_sum3A_23 : i1 to vector<16xi1>
    %reduce_sum3A_25 = tpu.scan <sum>, %scan3A_18#1 masked %reduce_sum3A_24 : vector<16xf32>, vector<16xi1> -> vector<16xf32>
    %reduce_sum3A_26 = vector.extract %reduce_sum3A_25[15] : f32 from vector<16xf32>
    %iota3A = tpu.iota {dimensions = array<i32: 0>} : vector<16xi32>
    %eq3A = arith.constant 0 : i32
    %eq3A_27 = vector.broadcast %eq3A : i32 to vector<16xi32>
    %eq3A_28 = arith.cmpi eq, %iota3A, %eq3A_27 : vector<16xi32>
    %eq3A_29 = arith.constant 1 : i32
    %eq3A_30 = vector.broadcast %eq3A_29 : i32 to vector<16xi32>
    %eq3A_31 = arith.cmpi eq, %iota3A, %eq3A_30 : vector<16xi32>
    %eq3A_32 = arith.constant 2 : i32
    %eq3A_33 = vector.broadcast %eq3A_32 : i32 to vector<16xi32>
    %eq3A_34 = arith.cmpi eq, %iota3A, %eq3A_33 : vector<16xi32>
    %jit3A = arith.constant 0.000000e+00 : f32
    %broadcast_in_dim3A_35 = vector.broadcast %reduce_sum3A_26 : f32 to vector<16xf32>
    %broadcast_in_dim3A_36 = vector.broadcast %jit3A : f32 to vector<16xf32>
    %select_n3A = arith.select %eq3A_34, %broadcast_in_dim3A_35, %broadcast_in_dim3A_36 : vector<16xi1>, vector<16xf32>
    %broadcast_in_dim3A_37 = vector.broadcast %reduce_sum3A_22 : f32 to vector<16xf32>
    %select_n3A_38 = arith.select %eq3A_31, %broadcast_in_dim3A_37, %select_n3A : vector<16xi1>, vector<16xf32>
    %broadcast_in_dim3A_39 = vector.broadcast %reduce_max3A_11 : f32 to vector<16xf32>
    %select_n3A_40 = arith.select %eq3A_28, %broadcast_in_dim3A_39, %select_n3A_38 : vector<16xi1>, vector<16xf32>
    %swap3A = arith.constant 0 : index
    %swap3A_41 = tpu.vector_load %arg5[%swap3A] {strides = array<i32>} : memref<16xf32, #tpu.memory_space<vmem>>, vector<16xf32>,
    tpu.vector_store %arg5[%swap3A], %select_n3A_40 {strides = array<i32>} : memref<16xf32, #tpu.memory_space<vmem>>, vector<16xf32>,
    "tpu.region"() ({
      %run_scoped3A = tpu.sem_alloc : memref<!tpu.dma_semaphore, #tpu.memory_space<semaphore_mem>>
      %dma_start3A = arith.constant 0 : i32
      %dma_start3A_42 = tpu.memref_slice %arg3[%add3A, %dma_start3A] : memref<32x16xf32, #tpu.memory_space<hbm>> -> memref<1x16xf32, #tpu.memory_space<hbm>>
      %dma_start3A_43 = tpu.memref_squeeze %dma_start3A_42 : memref<1x16xf32, #tpu.memory_space<hbm>> -> memref<16xf32, #tpu.memory_space<hbm>>
      %dma_start3A_44 = arith.constant 0 : i32
      %dma_start3A_45 = tpu.memref_slice %arg3[%add3A, %dma_start3A_44] : memref<32x16xf32, #tpu.memory_space<hbm>> -> memref<1x16xf32, #tpu.memory_space<hbm>>
      %dma_start3A_46 = tpu.memref_squeeze %dma_start3A_45 : memref<1x16xf32, #tpu.memory_space<hbm>> -> memref<16xf32, #tpu.memory_space<hbm>>
      tpu.enqueue_dma source(%arg5 : memref<16xf32, #tpu.memory_space<vmem>>) target(%dma_start3A_46 : memref<16xf32, #tpu.memory_space<hbm>>) target_semaphore(%run_scoped3A : memref<!tpu.dma_semaphore, #tpu.memory_space<semaphore_mem>>)
      %dma_wait3A = arith.constant 0 : i32
      %dma_wait3A_47 = tpu.memref_slice %arg3[%add3A, %dma_wait3A] : memref<32x16xf32, #tpu.memory_space<hbm>> -> memref<1x16xf32, #tpu.memory_space<hbm>>
      %dma_wait3A_48 = tpu.memref_squeeze %dma_wait3A_47 : memref<1x16xf32, #tpu.memory_space<hbm>> -> memref<16xf32, #tpu.memory_space<hbm>>
      %dma_wait3A_49 = arith.constant 0 : i32
      %dma_wait3A_50 = tpu.memref_slice %arg3[%add3A, %dma_wait3A_49] : memref<32x16xf32, #tpu.memory_space<hbm>> -> memref<1x16xf32, #tpu.memory_space<hbm>>
      %dma_wait3A_51 = tpu.memref_squeeze %dma_wait3A_50 : memref<1x16xf32, #tpu.memory_space<hbm>> -> memref<16xf32, #tpu.memory_space<hbm>>
      tpu.wait_dma2 semaphore(%run_scoped3A : memref<!tpu.dma_semaphore, #tpu.memory_space<semaphore_mem>>) src(%arg5 : memref<16xf32, #tpu.memory_space<vmem>>) dst(%dma_wait3A_51 : memref<16xf32, #tpu.memory_space<hbm>>)
      tpu.yield
    }) : () -> ()
    return
  }
}

module attributes {stable_mosaic.version = 14 : i64} {
  func.func @_dense_body(%arg0: i32, %arg1: memref<524288xf32, #tpu.memory_space<vmem>>, %arg2: memref<524288xf32, #tpu.memory_space<vmem>>, %arg3: memref<4096x8xf32, #tpu.memory_space<vmem>>, %arg4: memref<16384xf32, #tpu.memory_space<vmem>>, %arg5: memref<16384xf32, #tpu.memory_space<vmem>>, %arg6: memref<128xf32, #tpu.memory_space<vmem>>, %arg7: memref<3xf32, #tpu.memory_space<smem>>, %arg8: memref<4096x8xf32, #tpu.memory_space<vmem>>, %arg9: memref<524288xf32, #tpu.memory_space<vmem>>) attributes {dimension_semantics = [#tpu.dimension_semantics<arbitrary>], iteration_bounds = array<i64: 8>, scalar_prefetch = 0 : i64, scratch_operands = 0 : i64, tpu.core_type = #tpu.core_type<tc>, window_params = [{transform_indices = @transform_0, window_bounds = array<i64: 524288>}, {transform_indices = @transform_1, window_bounds = array<i64: 524288>}, {transform_indices = @transform_2, window_bounds = array<i64: 4096, 8>}, {pipeline_mode = #tpu.pipeline_mode<synchronous>, transform_indices = @transform_3, window_bounds = array<i64: 16384>}, {pipeline_mode = #tpu.pipeline_mode<synchronous>, transform_indices = @transform_4, window_bounds = array<i64: 16384>}, {pipeline_mode = #tpu.pipeline_mode<synchronous>, transform_indices = @transform_5, window_bounds = array<i64: 128>}, {transform_indices = @transform_6, window_bounds = array<i64: 3>}, {transform_indices = @transform_7, window_bounds = array<i64: 4096, 8>}, {transform_indices = @transform_8, window_bounds = array<i64: 524288>}]} {
    %get3A = arith.constant 0 : index
    %get3A_0 = vector.load %arg1[%get3A] : memref<524288xf32, #tpu.memory_space<vmem>>, vector<524288xf32>
    %reshape3A = vector.shape_cast %get3A_0 : vector<524288xf32> to vector<4096x128xf32>
    %get3A_1 = arith.constant 0 : index
    %get3A_2 = vector.load %arg2[%get3A_1] : memref<524288xf32, #tpu.memory_space<vmem>>, vector<524288xf32>
    %reshape3A_3 = vector.shape_cast %get3A_2 : vector<524288xf32> to vector<4096x128xf32>
    %get3A_4 = arith.constant 0 : index
    %get3A_5 = vector.load %arg4[%get3A_4] : memref<16384xf32, #tpu.memory_space<vmem>>, vector<16384xf32>
    %reshape3A_6 = vector.shape_cast %get3A_5 : vector<16384xf32> to vector<128x128xf32>
    %dot_general3A = arith.constant dense<0.000000e+00> : vector<4096x128xf32>
    %dot_general3A_7 = tpu.matmul %reshape3A, %reshape3A_6, %dot_general3A {dimension_numbers = #tpu.dot_dimension_numbers<[1], [0], [0], [1], [0, 0, 1, 1], [], []>, transpose_lhs_hint = false} : vector<4096x128xf32>, vector<128x128xf32>, vector<4096x128xf32> -> vector<4096x128xf32>
    %get3A_8 = arith.constant 0 : index
    %get3A_9 = memref.load %arg7[%get3A_8] : memref<3xf32, #tpu.memory_space<smem>>
    %mul3A = vector.broadcast %get3A_9 : f32 to vector<4096x128xf32>
    %mul3A_10 = arith.mulf %mul3A, %reshape3A_3 : vector<4096x128xf32>
    %add3A = arith.addf %dot_general3A_7, %mul3A_10 : vector<4096x128xf32>
    %get3A_11 = arith.constant 0 : index
    %get3A_12 = vector.load %arg5[%get3A_11] : memref<16384xf32, #tpu.memory_space<vmem>>, vector<16384xf32>
    %reshape3A_13 = vector.shape_cast %get3A_12 : vector<16384xf32> to vector<128x128xf32>
    %dot_general3A_14 = arith.constant dense<0.000000e+00> : vector<4096x128xf32>
    %dot_general3A_15 = tpu.matmul %add3A, %reshape3A_13, %dot_general3A_14 {dimension_numbers = #tpu.dot_dimension_numbers<[1], [0], [0], [1], [0, 0, 1, 1], [], []>, transpose_lhs_hint = false} : vector<4096x128xf32>, vector<128x128xf32>, vector<4096x128xf32> -> vector<4096x128xf32>
    %get3A_16 = arith.constant 0 : index
    %get3A_17 = vector.load %arg6[%get3A_16] : memref<128xf32, #tpu.memory_space<vmem>>, vector<128xf32>
    %reshape3A_18 = vector.shape_cast %get3A_17 : vector<128xf32> to vector<1x128xf32>
    %sub3A = vector.broadcast %reshape3A_18 : vector<1x128xf32> to vector<4096x128xf32>
    %sub3A_19 = arith.subf %sub3A, %dot_general3A_15 : vector<4096x128xf32>
    %get3A_20 = arith.constant 1 : index
    %get3A_21 = memref.load %arg7[%get3A_20] : memref<3xf32, #tpu.memory_space<smem>>
    %mul3A_22 = vector.broadcast %get3A_21 : f32 to vector<4096x128xf32>
    %mul3A_23 = arith.mulf %sub3A_19, %mul3A_22 : vector<4096x128xf32>
    %iota3A = tpu.iota {dimensions = array<i32: 0>} : vector<128x8xi32>
    %iota3A_24 = tpu.iota {dimensions = array<i32: 1>} : vector<128x8xi32>
    %jit3A = arith.constant 16 : i32
    %div3A = vector.broadcast %jit3A : i32 to vector<128x8xi32>
    %div3A_25 = arith.divsi %iota3A, %div3A : vector<128x8xi32>
    %sign3A = arith.constant 0 : i32
    %sign3A_26 = vector.broadcast %sign3A : i32 to vector<128x8xi32>
    %sign3A_27 = arith.cmpi sgt, %iota3A, %sign3A_26 : vector<128x8xi32>
    %sign3A_28 = arith.extui %sign3A_27 : vector<128x8xi1> to vector<128x8xi32>
    %sign3A_29 = arith.constant 0 : i32
    %sign3A_30 = vector.broadcast %sign3A_29 : i32 to vector<128x8xi32>
    %sign3A_31 = arith.cmpi slt, %iota3A, %sign3A_30 : vector<128x8xi32>
    %sign3A_32 = arith.extui %sign3A_31 : vector<128x8xi1> to vector<128x8xi32>
    %sign3A_33 = arith.subi %sign3A_28, %sign3A_32 : vector<128x8xi32>
    %sign3A_34 = arith.constant 0 : i32
    %sign3A_35 = arith.cmpi sgt, %jit3A, %sign3A_34 : i32
    %sign3A_36 = arith.extui %sign3A_35 : i1 to i32
    %sign3A_37 = arith.constant 0 : i32
    %sign3A_38 = arith.cmpi slt, %jit3A, %sign3A_37 : i32
    %sign3A_39 = arith.extui %sign3A_38 : i1 to i32
    %sign3A_40 = arith.subi %sign3A_36, %sign3A_39 : i32
    %ne3A = vector.broadcast %sign3A_40 : i32 to vector<128x8xi32>
    %ne3A_41 = arith.cmpi ne, %sign3A_33, %ne3A : vector<128x8xi32>
    %rem3A = vector.broadcast %jit3A : i32 to vector<128x8xi32>
    %rem3A_42 = arith.remsi %iota3A, %rem3A : vector<128x8xi32>
    %ne3A_43 = arith.constant 0 : i32
    %ne3A_44 = vector.broadcast %ne3A_43 : i32 to vector<128x8xi32>
    %ne3A_45 = arith.cmpi ne, %rem3A_42, %ne3A_44 : vector<128x8xi32>
    %and3A = arith.andi %ne3A_41, %ne3A_45 : vector<128x8xi1>
    %sub3A_46 = arith.constant 1 : i32
    %sub3A_47 = vector.broadcast %sub3A_46 : i32 to vector<128x8xi32>
    %sub3A_48 = arith.subi %div3A_25, %sub3A_47 : vector<128x8xi32>
    %select_n3A = arith.select %and3A, %sub3A_48, %div3A_25 : vector<128x8xi1>, vector<128x8xi32>
    %eq3A = arith.cmpi eq, %select_n3A, %iota3A_24 : vector<128x8xi32>
    %convert_element_type3A = arith.extui %eq3A : vector<128x8xi1> to vector<128x8xi32>
    %convert_element_type3A_49 = arith.sitofp %convert_element_type3A : vector<128x8xi32> to vector<128x8xf32>
    %mul3A_50 = arith.mulf %mul3A_23, %mul3A_23 : vector<4096x128xf32>
    %dot_general3A_51 = arith.constant dense<0.000000e+00> : vector<4096x8xf32>
    %dot_general3A_52 = tpu.matmul %mul3A_50, %convert_element_type3A_49, %dot_general3A_51 {dimension_numbers = #tpu.dot_dimension_numbers<[1], [0], [0], [1], [0, 0, 1, 1], [], []>, transpose_lhs_hint = false} : vector<4096x128xf32>, vector<128x8xf32>, vector<4096x8xf32> -> vector<4096x8xf32>
    %get3A_53 = arith.constant 0 : index
    %get3A_54 = arith.constant 0 : index
    %get3A_55 = vector.load %arg3[%get3A_53, %get3A_54] : memref<4096x8xf32, #tpu.memory_space<vmem>>, vector<4096x8xf32>
    %mul3A_56 = arith.constant -5.000000e-01 : f32
    %mul3A_57 = vector.broadcast %mul3A_56 : f32 to vector<4096x8xf32>
    %mul3A_58 = arith.mulf %mul3A_57, %dot_general3A_52 : vector<4096x8xf32>
    %add3A_59 = arith.addf %get3A_55, %mul3A_58 : vector<4096x8xf32>
    %get3A_60 = arith.constant 2 : index
    %get3A_61 = memref.load %arg7[%get3A_60] : memref<3xf32, #tpu.memory_space<smem>>
    %sub3A_62 = vector.broadcast %get3A_61 : f32 to vector<4096x8xf32>
    %sub3A_63 = arith.subf %add3A_59, %sub3A_62 : vector<4096x8xf32>
    %swap3A = arith.constant 0 : index
    %swap3A_64 = arith.constant 0 : index
    %swap3A_65 = vector.load %arg8[%swap3A, %swap3A_64] : memref<4096x8xf32, #tpu.memory_space<vmem>>, vector<4096x8xf32>
    tpu.vector_store %arg8[%swap3A, %swap3A_64], %sub3A_63 {strides = array<i32>} : memref<4096x8xf32, #tpu.memory_space<vmem>>, vector<4096x8xf32>,
    %reshape3A_66 = vector.shape_cast %add3A : vector<4096x128xf32> to vector<524288xf32>
    %swap3A_67 = arith.constant 0 : index
    %swap3A_68 = vector.load %arg9[%swap3A_67] : memref<524288xf32, #tpu.memory_space<vmem>>, vector<524288xf32>
    tpu.vector_store %arg9[%swap3A_67], %reshape3A_66 {strides = array<i32>} : memref<524288xf32, #tpu.memory_space<vmem>>, vector<524288xf32>,
    return
  }
  func.func @transform_0(%arg0: i32) -> i32 {
    %c0_i32 = arith.constant 0 : i32
    return %arg0 : i32
  }
  func.func @transform_1(%arg0: i32) -> i32 {
    %c0_i32 = arith.constant 0 : i32
    return %arg0 : i32
  }
  func.func @transform_2(%arg0: i32) -> (i32, i32) {
    %c0_i32 = arith.constant 0 : i32
    %c0_i32_0 = arith.constant 0 : i32
    return %arg0, %c0_i32 : i32, i32
  }
  func.func @transform_3(%arg0: i32) -> i32 {
    %c0_i32 = arith.constant 0 : i32
    %c0_i32_0 = arith.constant 0 : i32
    return %c0_i32 : i32
  }
  func.func @transform_4(%arg0: i32) -> i32 {
    %c0_i32 = arith.constant 0 : i32
    %c0_i32_0 = arith.constant 0 : i32
    return %c0_i32 : i32
  }
  func.func @transform_5(%arg0: i32) -> i32 {
    %c0_i32 = arith.constant 0 : i32
    %c0_i32_0 = arith.constant 0 : i32
    return %c0_i32 : i32
  }
  func.func @transform_6(%arg0: i32) -> i32 {
    %c0_i32 = arith.constant 0 : i32
    %c0_i32_0 = arith.constant 0 : i32
    return %c0_i32 : i32
  }
  func.func @transform_7(%arg0: i32) -> (i32, i32) {
    %c0_i32 = arith.constant 0 : i32
    %c0_i32_0 = arith.constant 0 : i32
    return %arg0, %c0_i32 : i32, i32
  }
  func.func @transform_8(%arg0: i32) -> i32 {
    %c0_i32 = arith.constant 0 : i32
    return %arg0 : i32
  }
}

module attributes {stable_mosaic.version = 14 : i64} {
  func.func @_combine_body(%arg0: memref<32x16xf32, #tpu.memory_space<vmem>>, %arg1: memref<3xf32, #tpu.memory_space<smem>>) attributes {dimension_semantics = [], scalar_prefetch = 0 : i64, scratch_operands = 0 : i64, tpu.core_type = #tpu.core_type<tc>} {
    %get3A = arith.constant 0 : index
    %get3A_0 = arith.constant 0 : index
    %get3A_1 = vector.load %arg0[%get3A, %get3A_0] : memref<32x16xf32, #tpu.memory_space<vmem>>, vector<32x16xf32>
    %slice3A = vector.extract_strided_slice %get3A_1 {offsets = [0, 0], sizes = [32, 1], strides = [1, 1]} : vector<32x16xf32> to vector<32x1xf32>
    %squeeze3A = vector.shape_cast %slice3A : vector<32x1xf32> to vector<32xf32>
    %reduce_max3A = vector.shape_cast %squeeze3A : vector<32xf32> to vector<1x32xf32>
    %reduce_max3A_2 = arith.constant dense<0xFF800000> : vector<1xf32>
    %reduce_max3A_3 = vector.multi_reduction <maximumf>, %reduce_max3A, %reduce_max3A_2 [1] : vector<1x32xf32> to vector<1xf32>
    %reduce_max3A_4 = vector.shape_cast %reduce_max3A_3 : vector<1xf32> to vector<1x1xf32>
    %reduce_max3A_5 = vector.extract %reduce_max3A_4[0, 0] : f32 from vector<1x1xf32>
    %sub3A = vector.broadcast %reduce_max3A_5 : f32 to vector<32xf32>
    %sub3A_6 = arith.subf %squeeze3A, %sub3A : vector<32xf32>
    %exp3A = math.exp %sub3A_6 : vector<32xf32>
    %swap3A = arith.constant 0 : index
    %swap3A_7 = memref.load %arg1[%swap3A] : memref<3xf32, #tpu.memory_space<smem>>
    memref.store %reduce_max3A_5, %arg1[%swap3A] : memref<3xf32, #tpu.memory_space<smem>>
    %slice3A_8 = vector.extract_strided_slice %get3A_1 {offsets = [0, 1], sizes = [32, 1], strides = [1, 1]} : vector<32x16xf32> to vector<32x1xf32>
    %squeeze3A_9 = vector.shape_cast %slice3A_8 : vector<32x1xf32> to vector<32xf32>
    %mul3A = arith.mulf %exp3A, %squeeze3A_9 : vector<32xf32>
    %reduce_sum3A = vector.shape_cast %mul3A : vector<32xf32> to vector<1x32xf32>
    %reduce_sum3A_10 = arith.constant dense<0.000000e+00> : vector<1xf32>
    %reduce_sum3A_11 = vector.multi_reduction <add>, %reduce_sum3A, %reduce_sum3A_10 [1] : vector<1x32xf32> to vector<1xf32>
    %reduce_sum3A_12 = vector.shape_cast %reduce_sum3A_11 : vector<1xf32> to vector<1x1xf32>
    %reduce_sum3A_13 = vector.extract %reduce_sum3A_12[0, 0] : f32 from vector<1x1xf32>
    %swap3A_14 = arith.constant 1 : index
    %swap3A_15 = memref.load %arg1[%swap3A_14] : memref<3xf32, #tpu.memory_space<smem>>
    memref.store %reduce_sum3A_13, %arg1[%swap3A_14] : memref<3xf32, #tpu.memory_space<smem>>
    %mul3A_16 = arith.mulf %exp3A, %exp3A : vector<32xf32>
    %slice3A_17 = vector.extract_strided_slice %get3A_1 {offsets = [0, 2], sizes = [32, 1], strides = [1, 1]} : vector<32x16xf32> to vector<32x1xf32>
    %squeeze3A_18 = vector.shape_cast %slice3A_17 : vector<32x1xf32> to vector<32xf32>
    %mul3A_19 = arith.mulf %mul3A_16, %squeeze3A_18 : vector<32xf32>
    %reduce_sum3A_20 = vector.shape_cast %mul3A_19 : vector<32xf32> to vector<1x32xf32>
    %reduce_sum3A_21 = arith.constant dense<0.000000e+00> : vector<1xf32>
    %reduce_sum3A_22 = vector.multi_reduction <add>, %reduce_sum3A_20, %reduce_sum3A_21 [1] : vector<1x32xf32> to vector<1xf32>
    %reduce_sum3A_23 = vector.shape_cast %reduce_sum3A_22 : vector<1xf32> to vector<1x1xf32>
    %reduce_sum3A_24 = vector.extract %reduce_sum3A_23[0, 0] : f32 from vector<1x1xf32>
    %swap3A_25 = arith.constant 2 : index
    %swap3A_26 = memref.load %arg1[%swap3A_25] : memref<3xf32, #tpu.memory_space<smem>>
    memref.store %reduce_sum3A_24, %arg1[%swap3A_25] : memref<3xf32, #tpu.memory_space<smem>>
    return
  }
}

module attributes {stable_mosaic.version = 14 : i64} {
  func.func @_cumsum_body(%arg0: i32, %arg1: memref<512x1xf32, #tpu.memory_space<vmem>>, %arg2: memref<1xf32, #tpu.memory_space<smem>>, %arg3: memref<512x1xf32, #tpu.memory_space<vmem>>, %arg4: memref<1xf32, #tpu.memory_space<smem>>) attributes {dimension_semantics = [#tpu.dimension_semantics<arbitrary>], iteration_bounds = array<i64: 512>, scalar_prefetch = 0 : i64, scratch_operands = 1 : i64, tpu.core_type = #tpu.core_type<tc>, window_params = [{transform_indices = @transform_0, window_bounds = array<i64: 512, 1>}, {transform_indices = @transform_1, window_bounds = array<i64: 1>}, {transform_indices = @transform_2, window_bounds = array<i64: 512, 1>}]} {
    %eq3A = arith.constant 0 : i32
    %eq3A_0 = arith.cmpi eq, %arg0, %eq3A : i32
    %convert_element_type3A = arith.extui %eq3A_0 : i1 to i32
    %cond3A = arith.constant 0 : i32
    %cond3A_1 = arith.cmpi ne, %convert_element_type3A, %cond3A : i32
    scf.if %cond3A_1 {
      %swap3A_23 = arith.constant 0.000000e+00 : f32
      %swap3A_24 = arith.constant 0 : index
      %swap3A_25 = memref.load %arg4[%swap3A_24] : memref<1xf32, #tpu.memory_space<smem>>
      memref.store %swap3A_23, %arg4[%swap3A_24] : memref<1xf32, #tpu.memory_space<smem>>
    } else {
    }
    %get3A = arith.constant 0 : index
    %get3A_2 = arith.constant 0 : index
    %get3A_3 = vector.load %arg1[%get3A, %get3A_2] : memref<512x1xf32, #tpu.memory_space<vmem>>, vector<512x1xf32>
    %get3A_4 = arith.constant 0 : index
    %get3A_5 = memref.load %arg2[%get3A_4] : memref<1xf32, #tpu.memory_space<smem>>
    %sub3A = vector.broadcast %get3A_5 : f32 to vector<512x1xf32>
    %sub3A_6 = arith.subf %get3A_3, %sub3A : vector<512x1xf32>
    %exp3A = math.exp %sub3A_6 : vector<512x1xf32>
    %iota3A = tpu.iota {dimensions = array<i32: 0>} : vector<512x512xi32>
    %iota3A_7 = tpu.iota {dimensions = array<i32: 1>} : vector<512x512xi32>
    %ge3A = arith.cmpi sge, %iota3A, %iota3A_7 : vector<512x512xi32>
    %convert_element_type3A_8 = arith.extui %ge3A : vector<512x512xi1> to vector<512x512xi32>
    %convert_element_type3A_9 = arith.sitofp %convert_element_type3A_8 : vector<512x512xi32> to vector<512x512xf32>
    %dot_general3A = arith.constant dense<0.000000e+00> : vector<512x1xf32>
    %dot_general3A_10 = tpu.matmul %convert_element_type3A_9, %exp3A, %dot_general3A {dimension_numbers = #tpu.dot_dimension_numbers<[1], [0], [0], [1], [0, 0, 1, 1], [], []>, transpose_lhs_hint = false} : vector<512x512xf32>, vector<512x1xf32>, vector<512x1xf32> -> vector<512x1xf32>
    %get3A_11 = arith.constant 0 : index
    %get3A_12 = memref.load %arg4[%get3A_11] : memref<1xf32, #tpu.memory_space<smem>>
    %add3A = vector.broadcast %get3A_12 : f32 to vector<512x1xf32>
    %add3A_13 = arith.addf %dot_general3A_10, %add3A : vector<512x1xf32>
    %swap3A = arith.constant 0 : index
    %swap3A_14 = arith.constant 0 : index
    %swap3A_15 = vector.load %arg3[%swap3A, %swap3A_14] : memref<512x1xf32, #tpu.memory_space<vmem>>, vector<512x1xf32>
    tpu.vector_store %arg3[%swap3A, %swap3A_14], %add3A_13 {strides = array<i32>} : memref<512x1xf32, #tpu.memory_space<vmem>>, vector<512x1xf32>,
    %reduce_sum3A = vector.shape_cast %exp3A : vector<512x1xf32> to vector<1x512x1xf32>
    %reduce_sum3A_16 = arith.constant dense<0.000000e+00> : vector<1xf32>
    %reduce_sum3A_17 = vector.multi_reduction <add>, %reduce_sum3A, %reduce_sum3A_16 [1, 2] : vector<1x512x1xf32> to vector<1xf32>
    %reduce_sum3A_18 = vector.shape_cast %reduce_sum3A_17 : vector<1xf32> to vector<1x1x1xf32>
    %reduce_sum3A_19 = vector.extract %reduce_sum3A_18[0, 0, 0] : f32 from vector<1x1x1xf32>
    %add3A_20 = arith.addf %get3A_12, %reduce_sum3A_19 : f32
    %swap3A_21 = arith.constant 0 : index
    %swap3A_22 = memref.load %arg4[%swap3A_21] : memref<1xf32, #tpu.memory_space<smem>>
    memref.store %add3A_20, %arg4[%swap3A_21] : memref<1xf32, #tpu.memory_space<smem>>
    return
  }
  func.func @transform_0(%arg0: i32) -> (i32, i32) {
    %c0_i32 = arith.constant 0 : i32
    %c0_i32_0 = arith.constant 0 : i32
    return %arg0, %c0_i32 : i32, i32
  }
  func.func @transform_1(%arg0: i32) -> i32 {
    %c0_i32 = arith.constant 0 : i32
    %c0_i32_0 = arith.constant 0 : i32
    return %c0_i32 : i32
  }
  func.func @transform_2(%arg0: i32) -> (i32, i32) {
    %c0_i32 = arith.constant 0 : i32
    %c0_i32_0 = arith.constant 0 : i32
    return %arg0, %c0_i32 : i32, i32
  }
}

module attributes {stable_mosaic.version = 14 : i64} {
  func.func @_gather_body(%arg0: i32, %arg1: i32, %arg2: memref<1xf32, #tpu.memory_space<smem>>, %arg3: memref<1x512xf32, #tpu.memory_space<vmem>>, %arg4: memref<1x512xf32, #tpu.memory_space<vmem>>, %arg5: memref<512x16xf32, #tpu.memory_space<vmem>>, %arg6: memref<256x16xf32, #tpu.memory_space<vmem>>) attributes {dimension_semantics = [#tpu.dimension_semantics<arbitrary>, #tpu.dimension_semantics<arbitrary>], iteration_bounds = array<i64: 1024, 512>, scalar_prefetch = 0 : i64, scratch_operands = 0 : i64, tpu.core_type = #tpu.core_type<tc>, window_params = [{transform_indices = @transform_0, window_bounds = array<i64: 1>}, {transform_indices = @transform_1, window_bounds = array<i64: 1, 512>}, {transform_indices = @transform_2, window_bounds = array<i64: 1, 512>}, {transform_indices = @transform_3, window_bounds = array<i64: 512, 16>}, {transform_indices = @transform_4, window_bounds = array<i64: 256, 16>}]} {
    %mul3A = arith.constant 256 : i32
    %mul3A_0 = arith.muli %arg0, %mul3A : i32
    %iota3A = tpu.iota {dimensions = array<i32: 0>} : vector<256x1xi32>
    %add3A = vector.broadcast %mul3A_0 : i32 to vector<256x1xi32>
    %add3A_1 = arith.addi %add3A, %iota3A : vector<256x1xi32>
    %get3A = arith.constant 0 : index
    %get3A_2 = memref.load %arg2[%get3A] : memref<1xf32, #tpu.memory_space<smem>>
    %convert_element_type3A = arith.sitofp %add3A_1 : vector<256x1xi32> to vector<256x1xf32>
    %add3A_3 = vector.broadcast %get3A_2 : f32 to vector<256x1xf32>
    %add3A_4 = arith.addf %add3A_3, %convert_element_type3A : vector<256x1xf32>
    %div3A = arith.constant 2.621440e+05 : f32
    %div3A_5 = vector.broadcast %div3A : f32 to vector<256x1xf32>
    %div3A_6 = arith.divf %add3A_4, %div3A_5 : vector<256x1xf32>
    %get3A_7 = arith.constant 0 : index
    %get3A_8 = arith.constant 0 : index
    %get3A_9 = vector.load %arg3[%get3A_7, %get3A_8] : memref<1x512xf32, #tpu.memory_space<vmem>>, vector<1x512xf32>
    %get3A_10 = arith.constant 0 : index
    %get3A_11 = arith.constant 0 : index
    %get3A_12 = vector.load %arg4[%get3A_10, %get3A_11] : memref<1x512xf32, #tpu.memory_space<vmem>>, vector<1x512xf32>
    %mul3A_13 = arith.constant 512 : i32
    %mul3A_14 = arith.muli %arg1, %mul3A_13 : i32
    %iota3A_15 = tpu.iota {dimensions = array<i32: 1>} : vector<1x512xi32>
    %add3A_16 = vector.broadcast %mul3A_14 : i32 to vector<1x512xi32>
    %add3A_17 = arith.addi %add3A_16, %iota3A_15 : vector<1x512xi32>
    %lt3A = vector.broadcast %get3A_12 : vector<1x512xf32> to vector<256x512xf32>
    %lt3A_18 = vector.broadcast %div3A_6 : vector<256x1xf32> to vector<256x512xf32>
    %lt3A_19 = arith.cmpf olt, %lt3A, %lt3A_18 : vector<256x512xf32>
    %le3A = vector.broadcast %div3A_6 : vector<256x1xf32> to vector<256x512xf32>
    %le3A_20 = vector.broadcast %get3A_9 : vector<1x512xf32> to vector<256x512xf32>
    %le3A_21 = arith.cmpf ole, %le3A, %le3A_20 : vector<256x512xf32>
    %eq3A = arith.constant 262143 : i32
    %eq3A_22 = vector.broadcast %eq3A : i32 to vector<1x512xi32>
    %eq3A_23 = arith.cmpi eq, %add3A_17, %eq3A_22 : vector<1x512xi32>
    %or3A = vector.broadcast %eq3A_23 : vector<1x512xi1> to vector<256x512xi1>
    %or3A_24 = arith.ori %le3A_21, %or3A : vector<256x512xi1>
    %and3A = arith.andi %lt3A_19, %or3A_24 : vector<256x512xi1>
    %convert_element_type3A_25 = arith.extui %and3A : vector<256x512xi1> to vector<256x512xi32>
    %convert_element_type3A_26 = arith.sitofp %convert_element_type3A_25 : vector<256x512xi32> to vector<256x512xf32>
    %get3A_27 = arith.constant 0 : index
    %get3A_28 = arith.constant 0 : index
    %get3A_29 = vector.load %arg5[%get3A_27, %get3A_28] : memref<512x16xf32, #tpu.memory_space<vmem>>, vector<512x16xf32>
    %dot_general3A = arith.constant dense<0.000000e+00> : vector<256x16xf32>
    %dot_general3A_30 = tpu.matmul %convert_element_type3A_26, %get3A_29, %dot_general3A {dimension_numbers = #tpu.dot_dimension_numbers<[1], [0], [0], [1], [0, 0, 1, 1], [], []>, transpose_lhs_hint = false} : vector<256x512xf32>, vector<512x16xf32>, vector<256x16xf32> -> vector<256x16xf32>
    %eq3A_31 = arith.constant 0 : i32
    %eq3A_32 = arith.cmpi eq, %arg1, %eq3A_31 : i32
    %convert_element_type3A_33 = arith.extui %eq3A_32 : i1 to i32
    %cond3A = arith.constant 0 : i32
    %cond3A_34 = arith.cmpi ne, %convert_element_type3A_33, %cond3A : i32
    scf.if %cond3A_34 {
      %broadcast_in_dim3A = arith.constant 0.000000e+00 : f32
      %broadcast_in_dim3A_41 = vector.broadcast %broadcast_in_dim3A : f32 to vector<256x16xf32>
      %swap3A_42 = arith.constant 0 : index
      %swap3A_43 = arith.constant 0 : index
      %swap3A_44 = vector.load %arg6[%swap3A_42, %swap3A_43] : memref<256x16xf32, #tpu.memory_space<vmem>>, vector<256x16xf32>
      tpu.vector_store %arg6[%swap3A_42, %swap3A_43], %broadcast_in_dim3A_41 {strides = array<i32>} : memref<256x16xf32, #tpu.memory_space<vmem>>, vector<256x16xf32>,
    } else {
    }
    %get3A_35 = arith.constant 0 : index
    %get3A_36 = arith.constant 0 : index
    %get3A_37 = vector.load %arg6[%get3A_35, %get3A_36] : memref<256x16xf32, #tpu.memory_space<vmem>>, vector<256x16xf32>
    %add3A_38 = arith.addf %get3A_37, %dot_general3A_30 : vector<256x16xf32>
    %swap3A = arith.constant 0 : index
    %swap3A_39 = arith.constant 0 : index
    %swap3A_40 = vector.load %arg6[%swap3A, %swap3A_39] : memref<256x16xf32, #tpu.memory_space<vmem>>, vector<256x16xf32>
    tpu.vector_store %arg6[%swap3A, %swap3A_39], %add3A_38 {strides = array<i32>} : memref<256x16xf32, #tpu.memory_space<vmem>>, vector<256x16xf32>,
    return
  }
  func.func @transform_0(%arg0: i32, %arg1: i32) -> i32 {
    %c0_i32 = arith.constant 0 : i32
    %c0_i32_0 = arith.constant 0 : i32
    return %c0_i32 : i32
  }
  func.func @transform_1(%arg0: i32, %arg1: i32) -> (i32, i32) {
    %c0_i32 = arith.constant 0 : i32
    %c0_i32_0 = arith.constant 0 : i32
    return %c0_i32, %arg1 : i32, i32
  }
  func.func @transform_2(%arg0: i32, %arg1: i32) -> (i32, i32) {
    %c0_i32 = arith.constant 0 : i32
    %c0_i32_0 = arith.constant 0 : i32
    return %c0_i32, %arg1 : i32, i32
  }
  func.func @transform_3(%arg0: i32, %arg1: i32) -> (i32, i32) {
    %c0_i32 = arith.constant 0 : i32
    %c0_i32_0 = arith.constant 0 : i32
    return %arg1, %c0_i32 : i32, i32
  }
  func.func @transform_4(%arg0: i32, %arg1: i32) -> (i32, i32) {
    %c0_i32 = arith.constant 0 : i32
    %c0_i32_0 = arith.constant 0 : i32
    return %arg0, %c0_i32 : i32, i32
  }
}

module attributes {stable_mosaic.version = 14 : i64} {
  func.func @_dense_body(%arg0: i32, %arg1: memref<524288xf32, #tpu.memory_space<vmem>>, %arg2: memref<524288xf32, #tpu.memory_space<vmem>>, %arg3: memref<4096x8xf32, #tpu.memory_space<vmem>>, %arg4: memref<16384xf32, #tpu.memory_space<vmem>>, %arg5: memref<16384xf32, #tpu.memory_space<vmem>>, %arg6: memref<128xf32, #tpu.memory_space<vmem>>, %arg7: memref<3xf32, #tpu.memory_space<smem>>, %arg8: memref<4096x8xf32, #tpu.memory_space<vmem>>, %arg9: memref<524288xf32, #tpu.memory_space<vmem>>) attributes {dimension_semantics = [#tpu.dimension_semantics<arbitrary>], iteration_bounds = array<i64: 8>, scalar_prefetch = 0 : i64, scratch_operands = 0 : i64, tpu.core_type = #tpu.core_type<tc>, window_params = [{transform_indices = @transform_0, window_bounds = array<i64: 524288>}, {transform_indices = @transform_1, window_bounds = array<i64: 524288>}, {transform_indices = @transform_2, window_bounds = array<i64: 4096, 8>}, {pipeline_mode = #tpu.pipeline_mode<synchronous>, transform_indices = @transform_3, window_bounds = array<i64: 16384>}, {pipeline_mode = #tpu.pipeline_mode<synchronous>, transform_indices = @transform_4, window_bounds = array<i64: 16384>}, {pipeline_mode = #tpu.pipeline_mode<synchronous>, transform_indices = @transform_5, window_bounds = array<i64: 128>}, {transform_indices = @transform_6, window_bounds = array<i64: 3>}, {transform_indices = @transform_7, window_bounds = array<i64: 4096, 8>}, {transform_indices = @transform_8, window_bounds = array<i64: 524288>}]} {
    %get3A = arith.constant 0 : index
    %get3A_0 = vector.load %arg1[%get3A] : memref<524288xf32, #tpu.memory_space<vmem>>, vector<524288xf32>
    %reshape3A = vector.shape_cast %get3A_0 : vector<524288xf32> to vector<4096x128xf32>
    %get3A_1 = arith.constant 0 : index
    %get3A_2 = vector.load %arg2[%get3A_1] : memref<524288xf32, #tpu.memory_space<vmem>>, vector<524288xf32>
    %reshape3A_3 = vector.shape_cast %get3A_2 : vector<524288xf32> to vector<4096x128xf32>
    %get3A_4 = arith.constant 0 : index
    %get3A_5 = vector.load %arg4[%get3A_4] : memref<16384xf32, #tpu.memory_space<vmem>>, vector<16384xf32>
    %reshape3A_6 = vector.shape_cast %get3A_5 : vector<16384xf32> to vector<128x128xf32>
    %dot_general3A = arith.constant dense<0.000000e+00> : vector<4096x128xf32>
    %dot_general3A_7 = tpu.matmul %reshape3A, %reshape3A_6, %dot_general3A {dimension_numbers = #tpu.dot_dimension_numbers<[1], [0], [0], [1], [0, 0, 1, 1], [], []>, transpose_lhs_hint = false} : vector<4096x128xf32>, vector<128x128xf32>, vector<4096x128xf32> -> vector<4096x128xf32>
    %get3A_8 = arith.constant 0 : index
    %get3A_9 = memref.load %arg7[%get3A_8] : memref<3xf32, #tpu.memory_space<smem>>
    %mul3A = vector.broadcast %get3A_9 : f32 to vector<4096x128xf32>
    %mul3A_10 = arith.mulf %mul3A, %reshape3A_3 : vector<4096x128xf32>
    %add3A = arith.addf %dot_general3A_7, %mul3A_10 : vector<4096x128xf32>
    %get3A_11 = arith.constant 0 : index
    %get3A_12 = vector.load %arg5[%get3A_11] : memref<16384xf32, #tpu.memory_space<vmem>>, vector<16384xf32>
    %reshape3A_13 = vector.shape_cast %get3A_12 : vector<16384xf32> to vector<128x128xf32>
    %dot_general3A_14 = arith.constant dense<0.000000e+00> : vector<4096x128xf32>
    %dot_general3A_15 = tpu.matmul %add3A, %reshape3A_13, %dot_general3A_14 {dimension_numbers = #tpu.dot_dimension_numbers<[1], [0], [0], [1], [0, 0, 1, 1], [], []>, transpose_lhs_hint = false} : vector<4096x128xf32>, vector<128x128xf32>, vector<4096x128xf32> -> vector<4096x128xf32>
    %get3A_16 = arith.constant 0 : index
    %get3A_17 = vector.load %arg6[%get3A_16] : memref<128xf32, #tpu.memory_space<vmem>>, vector<128xf32>
    %reshape3A_18 = vector.shape_cast %get3A_17 : vector<128xf32> to vector<1x128xf32>
    %sub3A = vector.broadcast %reshape3A_18 : vector<1x128xf32> to vector<4096x128xf32>
    %sub3A_19 = arith.subf %sub3A, %dot_general3A_15 : vector<4096x128xf32>
    %get3A_20 = arith.constant 1 : index
    %get3A_21 = memref.load %arg7[%get3A_20] : memref<3xf32, #tpu.memory_space<smem>>
    %mul3A_22 = vector.broadcast %get3A_21 : f32 to vector<4096x128xf32>
    %mul3A_23 = arith.mulf %sub3A_19, %mul3A_22 : vector<4096x128xf32>
    %iota3A = tpu.iota {dimensions = array<i32: 0>} : vector<128x8xi32>
    %iota3A_24 = tpu.iota {dimensions = array<i32: 1>} : vector<128x8xi32>
    %jit3A = arith.constant 16 : i32
    %div3A = vector.broadcast %jit3A : i32 to vector<128x8xi32>
    %div3A_25 = arith.divsi %iota3A, %div3A : vector<128x8xi32>
    %sign3A = arith.constant 0 : i32
    %sign3A_26 = vector.broadcast %sign3A : i32 to vector<128x8xi32>
    %sign3A_27 = arith.cmpi sgt, %iota3A, %sign3A_26 : vector<128x8xi32>
    %sign3A_28 = arith.extui %sign3A_27 : vector<128x8xi1> to vector<128x8xi32>
    %sign3A_29 = arith.constant 0 : i32
    %sign3A_30 = vector.broadcast %sign3A_29 : i32 to vector<128x8xi32>
    %sign3A_31 = arith.cmpi slt, %iota3A, %sign3A_30 : vector<128x8xi32>
    %sign3A_32 = arith.extui %sign3A_31 : vector<128x8xi1> to vector<128x8xi32>
    %sign3A_33 = arith.subi %sign3A_28, %sign3A_32 : vector<128x8xi32>
    %sign3A_34 = arith.constant 0 : i32
    %sign3A_35 = arith.cmpi sgt, %jit3A, %sign3A_34 : i32
    %sign3A_36 = arith.extui %sign3A_35 : i1 to i32
    %sign3A_37 = arith.constant 0 : i32
    %sign3A_38 = arith.cmpi slt, %jit3A, %sign3A_37 : i32
    %sign3A_39 = arith.extui %sign3A_38 : i1 to i32
    %sign3A_40 = arith.subi %sign3A_36, %sign3A_39 : i32
    %ne3A = vector.broadcast %sign3A_40 : i32 to vector<128x8xi32>
    %ne3A_41 = arith.cmpi ne, %sign3A_33, %ne3A : vector<128x8xi32>
    %rem3A = vector.broadcast %jit3A : i32 to vector<128x8xi32>
    %rem3A_42 = arith.remsi %iota3A, %rem3A : vector<128x8xi32>
    %ne3A_43 = arith.constant 0 : i32
    %ne3A_44 = vector.broadcast %ne3A_43 : i32 to vector<128x8xi32>
    %ne3A_45 = arith.cmpi ne, %rem3A_42, %ne3A_44 : vector<128x8xi32>
    %and3A = arith.andi %ne3A_41, %ne3A_45 : vector<128x8xi1>
    %sub3A_46 = arith.constant 1 : i32
    %sub3A_47 = vector.broadcast %sub3A_46 : i32 to vector<128x8xi32>
    %sub3A_48 = arith.subi %div3A_25, %sub3A_47 : vector<128x8xi32>
    %select_n3A = arith.select %and3A, %sub3A_48, %div3A_25 : vector<128x8xi1>, vector<128x8xi32>
    %eq3A = arith.cmpi eq, %select_n3A, %iota3A_24 : vector<128x8xi32>
    %convert_element_type3A = arith.extui %eq3A : vector<128x8xi1> to vector<128x8xi32>
    %convert_element_type3A_49 = arith.sitofp %convert_element_type3A : vector<128x8xi32> to vector<128x8xf32>
    %mul3A_50 = arith.mulf %mul3A_23, %mul3A_23 : vector<4096x128xf32>
    %dot_general3A_51 = arith.constant dense<0.000000e+00> : vector<4096x8xf32>
    %dot_general3A_52 = tpu.matmul %mul3A_50, %convert_element_type3A_49, %dot_general3A_51 {dimension_numbers = #tpu.dot_dimension_numbers<[1], [0], [0], [1], [0, 0, 1, 1], [], []>, transpose_lhs_hint = false} : vector<4096x128xf32>, vector<128x8xf32>, vector<4096x8xf32> -> vector<4096x8xf32>
    %get3A_53 = arith.constant 0 : index
    %get3A_54 = arith.constant 0 : index
    %get3A_55 = vector.load %arg3[%get3A_53, %get3A_54] : memref<4096x8xf32, #tpu.memory_space<vmem>>, vector<4096x8xf32>
    %mul3A_56 = arith.constant -5.000000e-01 : f32
    %mul3A_57 = vector.broadcast %mul3A_56 : f32 to vector<4096x8xf32>
    %mul3A_58 = arith.mulf %mul3A_57, %dot_general3A_52 : vector<4096x8xf32>
    %add3A_59 = arith.addf %get3A_55, %mul3A_58 : vector<4096x8xf32>
    %get3A_60 = arith.constant 2 : index
    %get3A_61 = memref.load %arg7[%get3A_60] : memref<3xf32, #tpu.memory_space<smem>>
    %sub3A_62 = vector.broadcast %get3A_61 : f32 to vector<4096x8xf32>
    %sub3A_63 = arith.subf %add3A_59, %sub3A_62 : vector<4096x8xf32>
    %swap3A = arith.constant 0 : index
    %swap3A_64 = arith.constant 0 : index
    %swap3A_65 = vector.load %arg8[%swap3A, %swap3A_64] : memref<4096x8xf32, #tpu.memory_space<vmem>>, vector<4096x8xf32>
    tpu.vector_store %arg8[%swap3A, %swap3A_64], %sub3A_63 {strides = array<i32>} : memref<4096x8xf32, #tpu.memory_space<vmem>>, vector<4096x8xf32>,
    %reshape3A_66 = vector.shape_cast %add3A : vector<4096x128xf32> to vector<524288xf32>
    %swap3A_67 = arith.constant 0 : index
    %swap3A_68 = vector.load %arg9[%swap3A_67] : memref<524288xf32, #tpu.memory_space<vmem>>, vector<524288xf32>
    tpu.vector_store %arg9[%swap3A_67], %reshape3A_66 {strides = array<i32>} : memref<524288xf32, #tpu.memory_space<vmem>>, vector<524288xf32>,
    return
  }
  func.func @transform_0(%arg0: i32) -> i32 {
    %c0_i32 = arith.constant 0 : i32
    return %arg0 : i32
  }
  func.func @transform_1(%arg0: i32) -> i32 {
    %c0_i32 = arith.constant 0 : i32
    return %arg0 : i32
  }
  func.func @transform_2(%arg0: i32) -> (i32, i32) {
    %c0_i32 = arith.constant 0 : i32
    %c0_i32_0 = arith.constant 0 : i32
    return %arg0, %c0_i32 : i32, i32
  }
  func.func @transform_3(%arg0: i32) -> i32 {
    %c0_i32 = arith.constant 0 : i32
    %c0_i32_0 = arith.constant 0 : i32
    return %c0_i32 : i32
  }
  func.func @transform_4(%arg0: i32) -> i32 {
    %c0_i32 = arith.constant 0 : i32
    %c0_i32_0 = arith.constant 0 : i32
    return %c0_i32 : i32
  }
  func.func @transform_5(%arg0: i32) -> i32 {
    %c0_i32 = arith.constant 0 : i32
    %c0_i32_0 = arith.constant 0 : i32
    return %c0_i32 : i32
  }
  func.func @transform_6(%arg0: i32) -> i32 {
    %c0_i32 = arith.constant 0 : i32
    %c0_i32_0 = arith.constant 0 : i32
    return %c0_i32 : i32
  }
  func.func @transform_7(%arg0: i32) -> (i32, i32) {
    %c0_i32 = arith.constant 0 : i32
    %c0_i32_0 = arith.constant 0 : i32
    return %arg0, %c0_i32 : i32, i32
  }
  func.func @transform_8(%arg0: i32) -> i32 {
    %c0_i32 = arith.constant 0 : i32
    return %arg0 : i32
  }
}

</mosaic_0001>

<sc_bundles>
// kernel: kernel.5.cloned.1.call-start
scs
__scs_entry_jumppad:
0x0: {  	(pc) =	sbr.rel $0x88, $3  }
0x1: {  	(tag) =	ssettag $0x0;
	lr =	simm.s32 $0x1  }
0x2: {  	[smem:$0x3F98] =	sst lr;
	_ =	strace $0xD0000000  }
0x3: {  	_ = 	snop  }
0x4: {  	_ = 	snop  }
0x5: {  	_ = 	snop  }
0x6: {  	_ = 	snop  }
0x7: {  	_ = 	snop  }
__scs_overlays_trampoline_lowered:
0x8: {  	[smem:$0x3FA7] =	sst s0  }
0x9: {  	[smem:$0x3FA8] =	sst s1  }
0xa: {  	[smem:$0x3FA9] =	sst s2  }
0xb: {  	[smem:$0x3FAA] =	sst s3  }
0xc: {  	[smem:$0x3FAB] =	sst s4  }
0xd: {  	[smem:$0x3FAC] =	sst s5  }
0xe: {  	[smem:$0x3FAD] =	sst s6  }
0xf: {  	[smem:$0x3FAE] =	sst s7  }
0x10: {  	[smem:$0x3FAF] =	sst s8  }
0x11: {  	[smem:$0x3FB0] =	sst s9;
	s0 =	simm.s32 @!p0 $0x0  }
0x12: {  	s1 =	sld [smem:$0x3F96];
	s0 =	simm.s32 @p0 $0x1  }
0x13: {  	[smem:$0x3FB1] =	sst s0;
	s0 =	simm.s32 @!p1 $0x0  }
0x14: {  	s2 =	sld [smem:$0x3F95];
	s0 =	simm.s32 @p1 $0x1  }
0x15: {  	[smem:$0x3FB2] =	sst s0;
	s0 =	simm.s32 @!p2 $0x0  }
0x16: {  	s3 =	sld [smem:$0x3FDB];
	s0 =	simm.s32 @p2 $0x1  }
0x17: {  	s4 =	simm.s32 $0x1BF5;
	[smem:$0x3FB4] =	sst s0  }
0x18: {  	s0 =	sld [smem:$0x3F97];
	_ =	swait.ge [sflag:s4], $0x0  }
0x19: {  	s7 =	sld [smem:$0x3F98]  }
0x1a: {  	s8 =	sadd.s32 $0xFFFFE003, lr  }
0x1b: {  	s9 =	sadd.s32 $0xFFFFFEF7, lr;
	s5 =	simm.s32 $0xFFFFFFFF;
	p2 =	slt.u32 s8, $0xFFFFF086  }
0x1c: {  	p1 =	slt.u32 s9, $0xF7A;
	s5 =	simm.s32 @!p2 $0x0  }
0x1d: {  	s5 =	simm.s32 @p1 $0x1;
	p0 =	seq.s32 s7, s2  }
0x1e: {  	s7 =	smul.u32 @!p0 $0xF7A, s2;
	p2 =	seq.s32 @!p0 s5, $0x0  }
0x1f: {  	s9 =	smul.u32 $0xF7A, s1;
	s8 =	simm.s32 @!p0 $0x1BF5;
	p2 =	por !p2, p0  }
0x20: {  	[sflag:s8] =	ssyncset.s32 @!p0 $0xFFFFF086;
	s6 =	sadd.s32 @!p0 s3, s7;
	s7 =	simm.s32 @!p0 $0x108  }
0x21: {  	s3 =	sadd.s32 s3, s9;
	s6 =	sadd.s32 @!p0 $0x88, s6;
	s7 =	simm.s32 @p2 $0x1082  }
0x22: {  	[simem:s7], [sflag:s8] =	dma.local @!p0 [hbm:s6], $0xF7A  }
0x23: {  	s9 =	sor.u32 $0xD0000000, s2;
	s6 =	simm.s32 $0x108;
	_ =	swait.ge @!p0 [sflag:s8], $0x0  }
0x24: {  	s3 =	sadd.s32 $0x88, s3;
	s6 =	simm.s32 @!p1 $0x1082;
	[sflag:s4] =	ssyncset.s32 $0xFFFFF086  }
0x25: {  	[simem:s6], [sflag:s4] =	dma.local [hbm:s3], $0xF7A  }
0x26: {  	[smem:$0x3F98] =	sst s1;
	(tag) =	ssettag s2;
	_ =	strace s9  }
0x27: {  	s1 =	sld [smem:$0x3FA8]  }
0x28: {  	s2 =	sld [smem:$0x3FA9]  }
0x29: {  	s4 =	sld [smem:$0x3FAB]  }
0x2a: {  	p0 =	seq.s32 s5, $0x0;
	s5 =	sld [smem:$0x3FAC]  }
0x2b: {  	s6 =	sld [smem:$0x3FAD]  }
0x2c: {  	s7 =	sld [smem:$0x3FAE]  }
0x2d: {  	s3 =	simm.s32 $0x108;
	s8 =	sld [smem:$0x3FAF]  }
0x2e: {  	s3 =	simm.s32 @!p0 $0x1082;
	s9 =	sld [smem:$0x3FB0]  }
0x2f: {  	lr =	sadd.s32 s0, s3;
	s0 =	sld [smem:$0x3FA7]  }
0x30: {  	s3 =	sld [smem:$0x3FAA]  }
0x31: {  	[smem:$0x3FB3] =	sst s10  }
0x32: {  	s10 =	sld [smem:$0x3FB1];
	_ =	sdelay $0x3  }
0x33: {  	p0 =	seq.s32 s10, $0x1;
	s10 =	sld [smem:$0x3FB3];
	_ =	sdelay $0x3  }
0x34: {  	[smem:$0x3FB3] =	sst s10  }
0x35: {  	s10 =	sld [smem:$0x3FB2];
	_ =	sdelay $0x3  }
0x36: {  	p1 =	seq.s32 s10, $0x1;
	s10 =	sld [smem:$0x3FB3];
	_ =	sdelay $0x3  }
0x37: {  	[smem:$0x3FB3] =	sst s10  }
0x38: {  	s10 =	sld [smem:$0x3FB4]  }
0x39: {  	_ = 	snop;
	(pc) =	sbr.ind lr, $3  }
0x3a: {  	_ = 	snop  }
0x3b: {  	_ = 	snop  }
0x3c: {  	p2 =	seq.s32 s10, $0x1;
	s10 =	sld [smem:$0x3FB3]  }
0x3d: {  	_ =	shalt  }
0x3e: {  	_ =	shalt  }
0x3f: {  	_ =	shalt  }
0x40: {  	_ =	shalt  }
0x41: {  	_ =	shalt  }
0x42: {  	_ =	shalt  }
0x43: {  	_ =	shalt  }
0x44: {  	_ =	shalt  }
0x45: {  	_ =	shalt  }
0x46: {  	_ =	shalt  }
0x47: {  	_ =	shalt  }
0x48: {  	_ =	shalt  }
0x49: {  	_ =	shalt  }
0x4a: {  	_ =	shalt  }
0x4b: {  	_ =	shalt  }
0x4c: {  	_ =	shalt  }
0x4d: {  	_ =	shalt  }
0x4e: {  	_ =	shalt  }
0x4f: {  	_ =	shalt  }
0x50: {  	_ =	shalt  }
0x51: {  	_ =	shalt  }
0x52: {  	_ =	shalt  }
0x53: {  	_ =	shalt  }
0x54: {  	_ =	shalt  }
0x55: {  	_ =	shalt  }
0x56: {  	_ =	shalt  }
0x57: {  	_ =	shalt  }
0x58: {  	_ =	shalt  }
0x59: {  	_ =	shalt  }
0x5a: {  	_ =	shalt  }
0x5b: {  	_ =	shalt  }
0x5c: {  	_ =	shalt  }
0x5d: {  	_ =	shalt  }
0x5e: {  	_ =	shalt  }
0x5f: {  	_ =	shalt  }
0x60: {  	_ =	shalt  }
0x61: {  	_ =	shalt  }
0x62: {  	_ =	shalt  }
0x63: {  	_ =	shalt  }
0x64: {  	_ =	shalt  }
0x65: {  	_ =	shalt  }
0x66: {  	_ =	shalt  }
0x67: {  	_ =	shalt  }
0x68: {  	_ =	shalt  }
0x69: {  	_ =	shalt  }
0x6a: {  	_ =	shalt  }
0x6b: {  	_ =	shalt  }
0x6c: {  	_ =	shalt  }
0x6d: {  	_ =	shalt  }
0x6e: {  	_ =	shalt  }
0x6f: {  	_ =	shalt  }
0x70: {  	_ =	shalt  }
0x71: {  	_ =	shalt  }
0x72: {  	_ =	shalt  }
0x73: {  	_ =	shalt  }
0x74: {  	_ =	shalt  }
0x75: {  	_ =	shalt  }
0x76: {  	_ =	shalt  }
0x77: {  	_ =	shalt  }
0x78: {  	_ =	shalt  }
0x79: {  	_ =	shalt  }
0x7a: {  	_ =	shalt  }
0x7b: {  	_ =	shalt  }
0x7c: {  	_ =	shalt  }
0x7d: {  	_ =	shalt  }
0x7e: {  	_ =	shalt  }
0x7f: {  	_ =	shalt  }
0x80: {  	_ =	shalt  }
0x81: {  	_ =	shalt  }
0x82: {  	_ =	shalt  }
0x83: {  	_ =	shalt  }
0x84: {  	_ =	shalt  }
0x85: {  	_ =	shalt  }
0x86: {  	_ =	shalt  }
0x87: {  	_ =	shalt  }
.Lfunc_end0:
.L_simem_size_0:
called_computation_lowered:
.L_overlay_start_0:
0x88: {  	s2 =	sld [smem:$0x3FD9]  }
0x89: {  	s3 =	sld [smem:$0x3FFE];
	_ =	sdelay $0x1  }
0x8a: {  	s1 =	srdreg.scid  }
0x8b: {  	s0 =	sand.u32 $0x1, s1  }
0x8c: {  	s17 =	sshll.u32 s0, $0xA;
	s2 =	sadd.s32 s3, s2  }
0x8d: {  	s2 =	sadd.s32 s2, s17  }
0x8e: {  	[smem:$0x3FBF] =	sst s2  }
0x8f: {  	_ = 	snop  }
0x90: {  	s2 =	sld [smem:$0x3FC9];
	(tm) =	ssettm $0x1  }
0x91: {  	s18 =	sld [smem:$0x3FFB];
	_ =	sdelay $0x3  }
0x92: {  	_ =	strace s18  }
0x93: {  	s3 =	sld [smem:$0x3FFC];
	_ =	sdelay $0x3  }
0x94: {  	_ =	strace s3  }
0x95: {  	s3 =	sld [smem:$0x3FFD];
	_ =	sdelay $0x3  }
0x96: {  	_ =	strace s3  }
0x97: {  	_ =	strace $0x8FFFFFFF  }
0x98: {  	s19 =	sld [smem:$0x3FDB];
	_ =	sdelay $0x1  }
0x99: {  	s4 =	simm.s32 $_scs_section_size  }
0x9a: {  	s5 =	simm.s32 $_size__tile_overlayer_lowered;
	s6 =	simm.s32 $_tile_overlayer_lowered  }
0x9b: {  	s22 =	simm.s32 $0x1BFF;
	s21 =	sshll.u32 s6, $0x1;
	s3 =	sadd.s32 s4, s19  }
0x9c: {  	s7 =	simm.s32 $0x0;
	s20 =	sshll.u32 s5, $0x1;
	s5 =	sadd.s32 s21, s3  }
0x9d: {  	[timem:s7], [sflag:s22] =	dma.local [hbm:s5], s20  }
0x9e: {  	_ =	swait.ge [sflag:s22], s20  }
0x9f: {  	s4 =	ssub.s32 $0x0, s20;
	[sflag:s22] =	ssyncset.done $0x0  }
0xa0: {  	[sflag:s22] =	ssyncadd.s32 s4;
	_ =	sdelay $0x1  }
0xa1: {  	s23 =	simm.s32 $0x1B8B  }
0xa2: {  	_ =	swait.ge [sflag:s23], $0x1  }
0xa3: {  	[sflag:s23] =	ssyncset.done $0x0  }
0xa4: {  	s25 =	simm.s32 $0x1B8E;
	s24 =	sld [smem:$0x3FFE];
	[sflag:s23] =	ssyncadd.s32 $0xFFFFFFFF  }
0xa5: {  	s26 =	simm.s32 $execute0_lowered;
	[smem:$0x3FD2] =	sst s25  }
0xa6: {  	s5 =	sshll.u32 s26, $0x1;
	_ =	strace $0x80000046;
	[dreg:$0x1] =	wrdreg $0xFFFFFFFF  }
0xa7: {  	s28 =	simm.s32 $_size_execute0_lowered;
	s3 =	sadd.s32 s3, s5;
	[dreg:$0x0] =	wrdreg $0x0  }
0xa8: {  	s5 =	sshll.u32 s28, $0x1;
	[dreg:$0x2] =	wrdreg s3  }
0xa9: {  	[dreg:$0x3] =	wrdreg s5  }
0xaa: {  	[dreg:$0x4] =	wrdreg $0xC0  }
0xab: {  	_ =	task [dreg:s7], $0x5FFFF  }
0xac: {  	[dreg:$0x1] =	wrdreg $0xFFFFFFFF  }
0xad: {  	[dreg:$0x0] =	wrdreg $0x60  }
0xae: {  	[dreg:$0x2] =	wrdreg s2  }
0xaf: {  	[dreg:$0x3] =	wrdreg s24  }
0xb0: {  	[dreg:$0x4] =	wrdreg $0x9  }
0xb1: {  	_ =	task.clear_ibuf [dreg:s7], $0x5FFFF;
	_ =	strace $0x90000046  }
0xb2: {  	s29 =	simm.s32 $0x9;
	_ =	strace $0x80000048  }
0xb3: {  	_ =	swait.ge [sflag:s29], $0x1  }
0xb4: {  	[sflag:s29] =	ssyncadd.s32 $0xFFFFFFFF  }
0xb5: {  	_ =	strace $0x90000048  }
0xb6: {  	_ =	sfence  }
0xb7: {  	s30 =	sld [smem:$0x0];
	_ =	sdelay $0x2  }
0xb8: {  	s31 =	sshll.u32 s1, $0xD;
	s1 =	sshrl.u32 s1, $0x2  }
0xb9: {  	s3 =	sand.u32 $0x4000, s31;
	s1 =	sadd.s32 s1, s30  }
0xba: {  	s0 =	sor.u32 s3, s0;
	s1 =	sshll.u32 s1, $0x11  }
0xbb: {  	s0 =	sor.u32 s1, s0  }
0xbc: {  	s0 =	sadd.s32 $0x8F2B, s0  }
0xbd: {  	[sflag:s0] =	ssyncadd.remote.s32 $0x1  }
0xbe: {  	_ =	sfence.sel $0xFFFF  }
0xbf: {  	[dreg:$0x0] =	wrdreg $0xFFFFFFFF;
	(pc) =	sbr.abs _section_cstart, $3  }
0xc0: {  	[dreg:$0x1] =	wrdreg $0xFFFFFFFF  }
0xc1: {  	_ =	task.clear_ibuf [dreg:s7], $0x2FFFF;
	_ =	strace $0x9FFFFFFF  }
0xc2: {  	(tm) =	ssettm $0x7FFFFFFF  }
0xc3: {  	_ =	shalt  }
tec
execute0_lowered:
.L_overlay_start_1:
0x0: {  	(tag) =	ssettag $0x1  }
0x1: {  	s3 =	rddreg [dreg:$0x0]  }
0x2: {  	s4 =	rddreg [dreg:$0x1]  }
0x3: {  	s0 =	rddreg [dreg:$0x2]  }
0x4: {  	s5 =	srdreg.scid;
	s1 =	stileid.u32  }
0x5: {  	s2 =	simm.s32 $0x0;
	s5 =	sand.u32 $0x1, s5;
	s6 =	sshll.u32 s1, $0x1  }
0x6: {  	[smem:$0x7FF] =	sst s2;
	s6 =	sor.u32 s5, s6;
	s5 =	ssub.s32 $0x2, s5  }
0x7: {  	_ =	strace $0x80000047;
	s7 =	sshll.u32 s6, $0x4;
	s8 =	sshrl.u32 s5, $0x1  }
0x8: {  	s6 =	sshll.u32 s6, $0xA;
	s4 =	sadd.s32 s7, s4;
	s5 =	ssub.s32 s5, s8  }
0x9: {  	s3 =	sadd.s32 s3, s6;
	s6 =	simm.s32 $0x1;
	s7 =	simm.s32 $0x2000  }
0xa: {  	vm0 =	vcmask $0xB08;
	vm1 =	vcmask $0x3F08;
	vm2 =	vcmask $0x3F04;
	s8 =	simm.s32 $0x0;
	s4 =	sadd.s32 $0x5A00, s4;
	s5 =	smax.u32 s5, $0x1  }
.LBB2_1:
0xb: {  	[tilespmem:s2], [sflag:$0x1] =	stream.linear.gather [hbm4b:s3+s2], $0x2000, $0x38;
	[tilespmem:$0x2080] =	vst v63  }
0xc: {  	_ =	swait.ge [sflag:s6], $0x2000  }
0xd: {  	[sflag:s6] =	ssyncset.done $0x0  }
0xe: {  	s10 =	simm.s32 $0x0;
	[sflag:s6] =	ssyncadd.s32 $0xFFFFE000  }
0xf: {  	v0 =	vimm.f32 $-Inf;
	s9 =	simm.s32 $0x40;
	v1 =	vld [tilespmem:s10+$0x0]  }
.LBB2_2:
0x10: {  	p0 =	sne.s32 s9, $0x7FC0  }
.Ltmp0:
0x11: {  	_ = 	snop;
	(pc) =	sbr.rel @p0 .LBB2_2-.Ltmp0, $3  }
0x12: {  	_ =	sdelay $0x1  }
0x13: {  	s10 =	sshra.s32 s9, $0x2;
	s9 =	sadd.s32 $0x40, s9;
	v0 =	vmax.f32 v0, v1  }
0x14: {  	v1 =	vld [tilespmem:s10+$0x0]  }
0x15: {  	_ =	sdelay $0x3  }
0x16: {  	v0 =	vmax.f32 v0, v1  }
0x17: {  	(xrf0) =	vmax.scan.msk.f32 $0xffff, v0;
	_ =	sdelay $0x2  }
0x18: {  	s9 =	simm.s32 $0x0  }
0x19: {  	v1 =	vld [tilespmem:s9+$0x0];
	_ =	sdelay $0x1  }
0x1a: {  	s31 =	simm.s32 $0x10;
	v0, _, _ =	vpop (xrf0)  }
0x1b: {  	v2 =	vld [tilespmem:s31+$0x0];
	v0 =	vbroadcast v0, $0xF;
	_ =	sdelay $0x1  }
0x1c: {  	v1 =	vsub.f32 v1, v0;
	_ =	sdelay $0x1  }
0x1d: {  	v1 =	vmul.f32 $1.442695020e+00, v1  }
0x1e: {  	v2 =	vsub.f32 v2, v0  }
0x1f: {  	(erf) = vpow2.f32 v1  }
0x20: {  	v2 =	vmul.f32 $1.442695020e+00, v2  }
0x21: {  	s10 =	simm.s32 $0x20  }
0x22: {  	v3 =	vld [tilespmem:s10+$0x0];
	(erf) = vpow2.f32 v2;
	_ =	sdelay $0x2  }
0x23: {  	s9 =	simm.s32 $0xC0;
	v1 =	vimm.f32 $0.0e+00;
	v2 =	vimm.f32 $0.0e+00  }
.LBB2_4:
0x24: {  	p0 =	sne.s32 s9, $0x7FC0  }
.Ltmp1:
0x25: {  	s10 =	sshra.s32 s9, $0x2;
	s9 =	sadd.s32 $0x40, s9;
	v4 =	vsub.f32 v3, v0;
	(pc) =	sbr.rel @p0 .LBB2_4-.Ltmp1, $3  }
0x26: {  	v3 =	vld [tilespmem:s10+$0x0];
	v5 =	vpop (erf)  }
0x27: {  	v4 =	vmul.f32 $1.442695020e+00, v4;
	v1 =	vadd.f32 v5, v1;
	v5 =	vmul.f32 v5, v5;
	_ =	sdelay $0x1  }
0x28: {  	(erf) = vpow2.f32 v4;
	v2 =	vadd.f32 v5, v2  }
0x29: {  	_ = 	snop  }
0x2a: {  	v3 =	vsub.f32 v3, v0;
	_ =	sdelay $0x1  }
0x2b: {  	v3 =	vmul.f32 $1.442695020e+00, v3;
	_ =	sdelay $0x1  }
0x2c: {  	(erf) = vpow2.f32 v3;
	_ =	sdelay $0x4  }
0x2d: {  	v58 =	vpop (erf)  }
0x2e: {  	v4 =	vmul.f32 v58, v58  }
0x2f: {  	v1 =	vadd.f32 v58, v1;
	v59 =	vpop (erf)  }
0x30: {  	v2 =	vadd.f32 v4, v2;
	v60 =	vmul.f32 v59, v59  }
0x31: {  	v1 =	vadd.f32 v59, v1;
	v61 =	vpop (erf)  }
0x32: {  	v2 =	vadd.f32 v60, v2;
	v62 =	vmul.f32 v61, v61  }
0x33: {  	v1 =	vadd.f32 v61, v1  }
0x34: {  	v2 =	vadd.f32 v62, v2  }
0x35: {  	(xrf2) =	vadd.scan.msk.f32 $0xffff, v1  }
0x36: {  	(xrf2) =	vadd.scan.msk.f32 $0xffff, v2;
	_ =	sdelay $0x8  }
0x37: {  	v1, _, _ =	vpop (xrf2)  }
0x38: {  	v2, _, _ =	vpop (xrf2)  }
0x39: {  	v2 =	vbroadcast v2, $0xF  }
0x3a: {  	v1 =	vbroadcast v1, $0xF  }
0x3b: {  	v2 =	vnsel vm0, $0x0, v2  }
0x3c: {  	s8 =	sadd.s32 $0x1, s8;
	v1 =	vsel vm1, v2, v1  }
0x3d: {  	p0 =	sne.s32 s8, s5;
	v63 =	vsel vm2, v1, v0  }
.Ltmp2:
0x3e: {  	[tilespmem:$0x2000] =	vst v63;
	(pc) =	sbr.rel @p0 .LBB2_1-.Ltmp2, $4  }
0x3f: {  	[hbm4b:s4+s2] =	stream.linear.scatter [tilespmem:s7], [sflag:$0x1], $0x80, $0x38;
	[tilespmem:$0x2080] =	vst v63  }
0x40: {  	_ =	swait.ge [sflag:s6], $0x80  }
0x41: {  	[sflag:s6] =	ssyncset.done $0x0  }
0x42: {  	[sflag:s6] =	ssyncadd.s32 $0xFFFFFF80  }
0x43: {  	_ =	sfence.sel $0x180000  }
0x44: {  	[bflag:$0x0] =	sbarrier.arrive $0xFFFF  }
0x45: {  	p0 =	sne.s32 s1, $0x0;
	_ =	strace $0x90000047  }
0x46: {  	s0 =	sadd.s32 @!p0 $0x100000, s0;
	[bflag:$0x2] =	sbarrier.arrive $0xFFFF  }
0x47: {  	[sflag:s0] =	ssyncadd.tile.s32 @!p0 $0x1;
	_ =	shalt  }
.Lfunc_end2:
_tile_overlayer_lowered:
.L_overlay_start_2:
0x48: {  	(tag) =	ssettag $0x2  }
0x49: {  	s0 =	rddreg [dreg:$0x0];
	s2 =	stileid.u32  }
0x4a: {  	s1 =	rddreg [dreg:$0x1];
	p0 =	sne.s32 s2, $0x0  }
0x4b: {  	s3 =	rddreg [dreg:$0x2];
	[bflag:$0x3] =	sbarrier.arrive $0xFFFF;
	s2 =	simm.s32 @!p0 $0x1C01  }
0x4c: {  	[timem:s3], [sflag:s2] =	dma.local @!p0 [hbm:s0], s1  }
0x4d: {  	s0 =	simm.s32 @!p0 $0x1  }
0x4e: {  	_ =	swait.ge @!p0 [sflag:s0], s1  }
0x4f: {  	s1 =	ssub.s32 @!p0 $0x0, s1;
	[sflag:s0] =	ssyncset.done @!p0 $0x0  }
0x50: {  	[sflag:s0] =	ssyncadd.s32 @!p0 s1  }
0x51: {  	[bflag:$0x3] =	sbarrier.arrive $0xFFFF  }
0x52: {  	_ =	shalt  }

</sc_bundles>
